<compile_context>
chip_gen: v7x
topology: tpu7x:2x2x1
jax: 0.10.2.dev20260603
libtpu: 0.0.44.dev20260713+nightly
codegen_flags: <defaults>
</compile_context>

<pallas_src>
import functools

import jax
import jax.numpy as jnp
from jax import lax
from jax.experimental import pallas as pl
from jax.experimental.pallas import tpu as pltpu
from jax.experimental.pallas import tpu_sc as plsc

_B = 16384
_DP = 64
_BM = 4096
_EPS = 1e-5
_BETA = 0.1

_NC = 2
_NS = 16
_NW = _NC * _NS
_BPW = _B // _NW
_CHUNK = 128
_NCHUNK = _BPW // _CHUNK


def _sc_gather(prompt_token, prompt_table):
    idx = prompt_token.astype(jnp.int32).reshape(_NW, _NCHUNK, _CHUNK)
    mesh = plsc.VectorSubcoreMesh(core_axis_name="c", subcore_axis_name="s")

    @functools.partial(
        pl.kernel,
        mesh=mesh,
        out_type=jax.ShapeDtypeStruct((_B, _DP), jnp.float32),
        compiler_params=pltpu.CompilerParams(use_tc_tiling_on_sc=False),
        scratch_types=[
            pltpu.VMEM((_NCHUNK, _CHUNK), jnp.int32),
            pltpu.VMEM((_BPW, _DP), jnp.float32),
            pltpu.SemaphoreType.DMA,
        ],
    )
    def gk(idx_hbm, table_hbm, out_hbm, idx_v, rows_v, sem):
        wid = lax.axis_index("s") * _NC + lax.axis_index("c")
        pltpu.sync_copy(idx_hbm.at[wid], idx_v)
        copies = [
            pltpu.async_copy(
                table_hbm.at[idx_v.at[j]],
                rows_v.at[pl.ds(j * _CHUNK, _CHUNK)],
                sem,
            )
            for j in range(_NCHUNK)
        ]
        for c in copies:
            c.wait()
        pltpu.sync_copy(rows_v, out_hbm.at[pl.ds(wid * _BPW, _BPW)])

    return gk(idx, prompt_table)


def _tc_body(df_ref, pe_ref, w1a_ref, w1b_ref, b1_ref, g1_ref, bt1_ref,
             w2_ref, b2_ref, dw1_ref, db1_ref, dg1_ref, dbt1_ref,
             dw2_ref, db2_ref, cb_ref, m2_ref, out_ref, loss_ref):
    i = pl.program_id(0)
    bf = lambda a: a.astype(jnp.bfloat16)
    xcat = jnp.concatenate([df_ref[...], pe_ref[...]], axis=-1)
    w1 = jnp.concatenate([w1a_ref[...], w1b_ref[...]], axis=0)
    h1 = jnp.dot(xcat, w1, preferred_element_type=jnp.float32)
    h1 = h1 + b1_ref[...]
    mu = jnp.mean(h1, axis=-1, keepdims=True)
    xc = h1 - mu
    var = jnp.mean(xc * xc, axis=-1, keepdims=True)
    h = xc / jnp.sqrt(var + _EPS) * g1_ref[...] + bt1_ref[...] + h1
    z = jnp.dot(h, w2_ref[...], preferred_element_type=jnp.float32)
    z = z + b2_ref[...]

    cbt = m2_ref[...]
    d0 = jnp.sum(z * z, axis=-1, keepdims=True)
    c2 = jnp.sum(cbt * cbt, axis=0, keepdims=True)
    d2 = 2.0 * jnp.dot(z, cbt, preferred_element_type=jnp.float32)
    d = d0 + c2 - d2
    mind = jnp.min(d, axis=-1, keepdims=True)
    k = d.shape[-1]
    iota = lax.broadcasted_iota(jnp.int32, d.shape, 1)
    idx = jnp.min(jnp.where(d == mind, iota, k), axis=-1, keepdims=True)
    onehot = (iota == idx).astype(jnp.bfloat16)
    z_q = jnp.dot(onehot, cb_ref[...], preferred_element_type=jnp.float32)

    diff = z_q - z
    psum = jnp.sum(diff * diff) * ((1.0 + _BETA) / (_B * z.shape[-1]))

    @pl.when(i == 0)
    def _():
        loss_ref[...] = jnp.zeros((1, 1), jnp.float32)

    loss_ref[...] += psum.reshape(1, 1)

    g1d = jnp.dot(bf(z_q), dw1_ref[...], preferred_element_type=jnp.float32)
    g1d = g1d + db1_ref[...]
    mu2 = jnp.mean(g1d, axis=-1, keepdims=True)
    gc = g1d - mu2
    var2 = jnp.mean(gc * gc, axis=-1, keepdims=True)
    g = gc / jnp.sqrt(var2 + _EPS) * dg1_ref[...] + dbt1_ref[...] + g1d
    out_ref[...] = (
        jnp.dot(bf(g), dw2_ref[...], preferred_element_type=jnp.float32)
        + db2_ref[...]
    )


def _full(shape):
    return pl.BlockSpec(shape, lambda i: (0,) * len(shape))


def _tc_forward(df, pe, w1a, w1b, b1, g1, bt1, w2, b2,
                dw1, db1, dg1, dbt1, dw2, db2, cb, m2):
    grid = (_B // _BM,)
    return pl.pallas_call(
        _tc_body,
        grid=grid,
        in_specs=[
            pl.BlockSpec((_BM, 128), lambda i: (i, 0)),
            pl.BlockSpec((_BM, _DP), lambda i: (i, 0)),
            _full((128, 512)), _full((_DP, 512)), _full((1, 512)),
            _full((1, 512)), _full((1, 512)),
            _full((512, 128)), _full((1, 128)),
            _full((128, 512)), _full((1, 512)), _full((1, 512)), _full((1, 512)),
            _full((512, 128)), _full((1, 128)),
            _full((1024, 128)), _full((128, 1024)),
        ],
        out_specs=[
            pl.BlockSpec((_BM, 128), lambda i: (i, 0)),
            pl.BlockSpec((1, 1), lambda i: (0, 0)),
        ],
        out_shape=[
            jax.ShapeDtypeStruct((_B, 128), jnp.float32),
            jax.ShapeDtypeStruct((1, 1), jnp.float32),
        ],
    )(df, pe, w1a, w1b, b1, g1, bt1, w2, b2,
      dw1, db1, dg1, dbt1, dw2, db2, cb, m2)


def kernel(dense_feat, prompt_token, prompt_table, enc_W1, enc_b1, enc_g1,
           enc_bt1, enc_W2, enc_b2, dec_W1, dec_b1, dec_g1, dec_bt1,
           dec_W2, dec_b2, codebook):
    pe = _sc_gather(prompt_token, prompt_table)
    d_in = dense_feat.shape[1]
    bf16 = jnp.bfloat16
    out, loss = _tc_forward(
        dense_feat, pe,
        enc_W1[:d_in], enc_W1[d_in:],
        enc_b1.reshape(1, -1), enc_g1.reshape(1, -1), enc_bt1.reshape(1, -1),
        enc_W2, enc_b2.reshape(1, -1),
        dec_W1.astype(bf16), dec_b1.reshape(1, -1), dec_g1.reshape(1, -1),
        dec_bt1.reshape(1, -1),
        dec_W2.astype(bf16), dec_b2.reshape(1, -1),
        codebook.astype(bf16), codebook.T,
    )
    return out, loss[0, 0]

# --- scband reference (transcript-rebuilt; emitter-appended) ---
"""Pipeline reference for scband-vqgan4-rec-81020263071804 (READ-ONLY COPY).

The authoritative reference and input builder live on the scoring server;
editing this copy changes nothing except your own understanding.
"""

import jax, jax.numpy as jnp
import numpy as np


def _layer_norm(x, g, b, eps=1e-5):
    mu = jnp.mean(x, axis=-1, keepdims=True)
    var = jnp.var(x, axis=-1, keepdims=True)
    return (x - mu) / jnp.sqrt(var + eps) * g + b


def _linears(x, W, b, g=None, bt=None):
    y = x @ W + b
    if g is not None:
        y = _layer_norm(y, g, bt) + y
    return y


def setup_inputs(seed: int = 0) -> dict:
    key = jax.random.key(seed)
    ks = jax.random.split(key, 16)
    B, D_IN, D_P, V, D_Z, H, D_T, K = 16384, 128, 64, 100000, 128, 512, 128, 1024
    inp = {}
    inp['dense_feat'] = jax.random.normal(ks[0], (B, D_IN), dtype=jnp.float32)
    inp['prompt_token'] = jax.random.randint(ks[1], (B,), 0, V, dtype=jnp.int64)
    inp['prompt_table'] = jax.random.normal(ks[2], (V, D_P), dtype=jnp.float32) * 0.02
    fan_in1 = D_IN + D_P
    inp['enc_W1'] = jax.random.normal(ks[3], (fan_in1, H), dtype=jnp.float32) * np.sqrt(2.0 / (fan_in1 + H))
    inp['enc_b1'] = jnp.zeros((H,), dtype=jnp.float32)
    inp['enc_g1'] = jnp.ones((H,), dtype=jnp.float32)
    inp['enc_bt1'] = jnp.zeros((H,), dtype=jnp.float32)
    inp['enc_W2'] = jax.random.normal(ks[4], (H, D_Z), dtype=jnp.float32) * np.sqrt(2.0 / (H + D_Z))
    inp['enc_b2'] = jnp.zeros((D_Z,), dtype=jnp.float32)
    inp['dec_W1'] = jax.random.normal(ks[5], (D_Z, H), dtype=jnp.float32) * np.sqrt(2.0 / (D_Z + H))
    inp['dec_b1'] = jnp.zeros((H,), dtype=jnp.float32)
    inp['dec_g1'] = jnp.ones((H,), dtype=jnp.float32)
    inp['dec_bt1'] = jnp.zeros((H,), dtype=jnp.float32)
    inp['dec_W2'] = jax.random.normal(ks[6], (H, D_T), dtype=jnp.float32) * np.sqrt(2.0 / (H + D_T))
    inp['dec_b2'] = jnp.zeros((D_T,), dtype=jnp.float32)
    inp['codebook'] = jax.random.normal(ks[7], (K, D_Z), dtype=jnp.float32) * np.sqrt(2.0 / (K + D_Z))
    return inp


def reference(dense_feat, prompt_token, prompt_table, enc_W1, enc_b1, enc_g1, enc_bt1, enc_W2, enc_b2, dec_W1, dec_b1, dec_g1, dec_bt1, dec_W2, dec_b2, codebook):
    beta = 0.1
    prompt_emb = jnp.take(prompt_table, prompt_token, axis=0)
    h = jnp.concatenate([dense_feat, prompt_emb], axis=-1)
    h = _linears(h, enc_W1, enc_b1, enc_g1, enc_bt1)
    z = _linears(h, enc_W2, enc_b2)
    code_dim = codebook.shape[1]
    z_r = z.reshape(-1, code_dim)
    d0 = jnp.sum(z_r ** 2, axis=1, keepdims=True)
    d1 = jnp.sum(codebook ** 2, axis=1)
    d2 = 2.0 * (z_r @ codebook.T)
    d = d0 + d1 - d2
    idx = jnp.argmin(d, axis=1)
    z_q = jnp.take(codebook, idx, axis=0).reshape(z.shape)
    code_loss = jnp.mean((jax.lax.stop_gradient(z_q) - z) ** 2) + beta * jnp.mean((z_q - jax.lax.stop_gradient(z)) ** 2)
    z_q_st = z + jax.lax.stop_gradient(z_q - z)
    g = _linears(z_q_st, dec_W1, dec_b1, dec_g1, dec_bt1)
    out = _linears(g, dec_W2, dec_b2)
    return (out, code_loss)

if __name__ == "__main__":
    import jax
    _d = setup_inputs()
    print(jax.jit(kernel)(*tuple(_d.values())))

</pallas_src>

<mosaic_0001>
#map = affine_map<(d0, d1) -> (0, 0, 0)>
#map1 = affine_map<(d0, d1) -> (0, 0)>
module attributes {stable_mosaic.version = 14 : i64} {
  func.func @gk(%arg0: i32, %arg1: i32, %arg2: memref<32x4x128xi32, #tpu.memory_space<hbm>>, %arg3: memref<100000x64xf32, #tpu.memory_space<hbm>>, %arg4: memref<16384x64xf32, #tpu.memory_space<hbm>>, %arg5: memref<4x128xi32, #tpu.memory_space<vmem>>, %arg6: memref<512x64xf32, #tpu.memory_space<vmem>>, %arg7: memref<!tpu.dma_semaphore, #tpu.memory_space<semaphore_mem>>) attributes {dimension_semantics = [#tpu.dimension_semantics<core_parallel>, #tpu.dimension_semantics<subcore_parallel>], iteration_bounds = array<i64: 2, 16>, scalar_prefetch = 0 : i64, scratch_operands = 3 : i64, tpu.core_type = #tpu.core_type<sc_vector_subcore>, window_params = [{transform_indices = #map}, {transform_indices = #map1}, {transform_indices = #map1}]} {
    %mul3A = arith.constant 2 : i32
    %mul3A_0 = arith.muli %arg1, %mul3A : i32
    %add3A = arith.addi %mul3A_0, %arg0 : i32
    "tpu.region"() ({
      %run_scoped3A = tpu.sem_alloc : memref<!tpu.dma_semaphore, #tpu.memory_space<semaphore_mem>>
      %dma_start3A_81 = arith.constant 0 : i32
      %dma_start3A_82 = arith.constant 0 : i32
      %dma_start3A_83 = tpu.memref_slice %arg2[%add3A, %dma_start3A_81, %dma_start3A_82] : memref<32x4x128xi32, #tpu.memory_space<hbm>> -> memref<1x4x128xi32, #tpu.memory_space<hbm>>
      %dma_start3A_84 = tpu.memref_squeeze %dma_start3A_83 : memref<1x4x128xi32, #tpu.memory_space<hbm>> -> memref<4x128xi32, #tpu.memory_space<hbm>>
      %dma_start3A_85 = arith.constant 0 : i32
      %dma_start3A_86 = arith.constant 0 : i32
      %dma_start3A_87 = tpu.memref_slice %arg2[%add3A, %dma_start3A_85, %dma_start3A_86] : memref<32x4x128xi32, #tpu.memory_space<hbm>> -> memref<1x4x128xi32, #tpu.memory_space<hbm>>
      %dma_start3A_88 = tpu.memref_squeeze %dma_start3A_87 : memref<1x4x128xi32, #tpu.memory_space<hbm>> -> memref<4x128xi32, #tpu.memory_space<hbm>>
      tpu.enqueue_dma source(%dma_start3A_88 : memref<4x128xi32, #tpu.memory_space<hbm>>) target(%arg5 : memref<4x128xi32, #tpu.memory_space<vmem>>) target_semaphore(%run_scoped3A : memref<!tpu.dma_semaphore, #tpu.memory_space<semaphore_mem>>)
      %dma_wait3A_89 = arith.constant 0 : i32
      %dma_wait3A_90 = arith.constant 0 : i32
      %dma_wait3A_91 = tpu.memref_slice %arg2[%add3A, %dma_wait3A_89, %dma_wait3A_90] : memref<32x4x128xi32, #tpu.memory_space<hbm>> -> memref<1x4x128xi32, #tpu.memory_space<hbm>>
      %dma_wait3A_92 = tpu.memref_squeeze %dma_wait3A_91 : memref<1x4x128xi32, #tpu.memory_space<hbm>> -> memref<4x128xi32, #tpu.memory_space<hbm>>
      %dma_wait3A_93 = arith.constant 0 : i32
      %dma_wait3A_94 = arith.constant 0 : i32
      %dma_wait3A_95 = tpu.memref_slice %arg2[%add3A, %dma_wait3A_93, %dma_wait3A_94] : memref<32x4x128xi32, #tpu.memory_space<hbm>> -> memref<1x4x128xi32, #tpu.memory_space<hbm>>
      %dma_wait3A_96 = tpu.memref_squeeze %dma_wait3A_95 : memref<1x4x128xi32, #tpu.memory_space<hbm>> -> memref<4x128xi32, #tpu.memory_space<hbm>>
      tpu.wait_dma2 semaphore(%run_scoped3A : memref<!tpu.dma_semaphore, #tpu.memory_space<semaphore_mem>>) src(%dma_wait3A_96 : memref<4x128xi32, #tpu.memory_space<hbm>>) dst(%arg5 : memref<4x128xi32, #tpu.memory_space<vmem>>)
      tpu.yield
    }) : () -> ()
    %dma_start3A = arith.constant 0 : i32
    %dma_start3A_1 = arith.constant 0 : i32
    %dma_start3A_2 = arith.constant 0 : i32
    %dma_start3A_3 = tpu.memref_slice %arg6[%dma_start3A_1, %dma_start3A_2] : memref<512x64xf32, #tpu.memory_space<vmem>> -> memref<128x64xf32, #tpu.memory_space<vmem>>
    %dma_start3A_4 = arith.constant 0 : i32
    %dma_start3A_5 = tpu.memref_slice %arg5[%dma_start3A, %dma_start3A_4] : memref<4x128xi32, #tpu.memory_space<vmem>> -> memref<1x128xi32, #tpu.memory_space<vmem>>
    %dma_start3A_6 = tpu.memref_squeeze %dma_start3A_5 : memref<1x128xi32, #tpu.memory_space<vmem>> -> memref<128xi32, #tpu.memory_space<vmem>>
    %dma_start3A_7 = arith.constant 0 : i32
    %dma_start3A_8 = arith.constant 0 : i32
    %dma_start3A_9 = tpu.memref_slice %arg3[%dma_start3A_7, %dma_start3A_8] : memref<100000x64xf32, #tpu.memory_space<hbm>> -> memref<100000x64xf32, #tpu.memory_space<hbm>>
    tpu.enqueue_indirect_dma source(%dma_start3A_9 : memref<100000x64xf32, #tpu.memory_space<hbm>>) target(%dma_start3A_3 : memref<128x64xf32, #tpu.memory_space<vmem>>) offsets(%dma_start3A_6 : memref<128xi32, #tpu.memory_space<vmem>>) semaphore(%arg7 : memref<!tpu.dma_semaphore, #tpu.memory_space<semaphore_mem>>)
    %dma_start3A_10 = arith.constant 1 : i32
    %dma_start3A_11 = arith.constant 128 : i32
    %dma_start3A_12 = arith.constant 0 : i32
    %dma_start3A_13 = tpu.memref_slice %arg6[%dma_start3A_11, %dma_start3A_12] : memref<512x64xf32, #tpu.memory_space<vmem>> -> memref<128x64xf32, #tpu.memory_space<vmem>>
    %dma_start3A_14 = arith.constant 0 : i32
    %dma_start3A_15 = tpu.memref_slice %arg5[%dma_start3A_10, %dma_start3A_14] : memref<4x128xi32, #tpu.memory_space<vmem>> -> memref<1x128xi32, #tpu.memory_space<vmem>>
    %dma_start3A_16 = tpu.memref_squeeze %dma_start3A_15 : memref<1x128xi32, #tpu.memory_space<vmem>> -> memref<128xi32, #tpu.memory_space<vmem>>
    %dma_start3A_17 = arith.constant 0 : i32
    %dma_start3A_18 = arith.constant 0 : i32
    %dma_start3A_19 = tpu.memref_slice %arg3[%dma_start3A_17, %dma_start3A_18] : memref<100000x64xf32, #tpu.memory_space<hbm>> -> memref<100000x64xf32, #tpu.memory_space<hbm>>
    tpu.enqueue_indirect_dma source(%dma_start3A_19 : memref<100000x64xf32, #tpu.memory_space<hbm>>) target(%dma_start3A_13 : memref<128x64xf32, #tpu.memory_space<vmem>>) offsets(%dma_start3A_16 : memref<128xi32, #tpu.memory_space<vmem>>) semaphore(%arg7 : memref<!tpu.dma_semaphore, #tpu.memory_space<semaphore_mem>>)
    %dma_start3A_20 = arith.constant 2 : i32
    %dma_start3A_21 = arith.constant 256 : i32
    %dma_start3A_22 = arith.constant 0 : i32
    %dma_start3A_23 = tpu.memref_slice %arg6[%dma_start3A_21, %dma_start3A_22] : memref<512x64xf32, #tpu.memory_space<vmem>> -> memref<128x64xf32, #tpu.memory_space<vmem>>
    %dma_start3A_24 = arith.constant 0 : i32
    %dma_start3A_25 = tpu.memref_slice %arg5[%dma_start3A_20, %dma_start3A_24] : memref<4x128xi32, #tpu.memory_space<vmem>> -> memref<1x128xi32, #tpu.memory_space<vmem>>
    %dma_start3A_26 = tpu.memref_squeeze %dma_start3A_25 : memref<1x128xi32, #tpu.memory_space<vmem>> -> memref<128xi32, #tpu.memory_space<vmem>>
    %dma_start3A_27 = arith.constant 0 : i32
    %dma_start3A_28 = arith.constant 0 : i32
    %dma_start3A_29 = tpu.memref_slice %arg3[%dma_start3A_27, %dma_start3A_28] : memref<100000x64xf32, #tpu.memory_space<hbm>> -> memref<100000x64xf32, #tpu.memory_space<hbm>>
    tpu.enqueue_indirect_dma source(%dma_start3A_29 : memref<100000x64xf32, #tpu.memory_space<hbm>>) target(%dma_start3A_23 : memref<128x64xf32, #tpu.memory_space<vmem>>) offsets(%dma_start3A_26 : memref<128xi32, #tpu.memory_space<vmem>>) semaphore(%arg7 : memref<!tpu.dma_semaphore, #tpu.memory_space<semaphore_mem>>)
    %dma_start3A_30 = arith.constant 3 : i32
    %dma_start3A_31 = arith.constant 384 : i32
    %dma_start3A_32 = arith.constant 0 : i32
    %dma_start3A_33 = tpu.memref_slice %arg6[%dma_start3A_31, %dma_start3A_32] : memref<512x64xf32, #tpu.memory_space<vmem>> -> memref<128x64xf32, #tpu.memory_space<vmem>>
    %dma_start3A_34 = arith.constant 0 : i32
    %dma_start3A_35 = tpu.memref_slice %arg5[%dma_start3A_30, %dma_start3A_34] : memref<4x128xi32, #tpu.memory_space<vmem>> -> memref<1x128xi32, #tpu.memory_space<vmem>>
    %dma_start3A_36 = tpu.memref_squeeze %dma_start3A_35 : memref<1x128xi32, #tpu.memory_space<vmem>> -> memref<128xi32, #tpu.memory_space<vmem>>
    %dma_start3A_37 = arith.constant 0 : i32
    %dma_start3A_38 = arith.constant 0 : i32
    %dma_start3A_39 = tpu.memref_slice %arg3[%dma_start3A_37, %dma_start3A_38] : memref<100000x64xf32, #tpu.memory_space<hbm>> -> memref<100000x64xf32, #tpu.memory_space<hbm>>
    tpu.enqueue_indirect_dma source(%dma_start3A_39 : memref<100000x64xf32, #tpu.memory_space<hbm>>) target(%dma_start3A_33 : memref<128x64xf32, #tpu.memory_space<vmem>>) offsets(%dma_start3A_36 : memref<128xi32, #tpu.memory_space<vmem>>) semaphore(%arg7 : memref<!tpu.dma_semaphore, #tpu.memory_space<semaphore_mem>>)
    %dma_wait3A = arith.constant 0 : i32
    %dma_wait3A_40 = arith.constant 0 : i32
    %dma_wait3A_41 = arith.constant 0 : i32
    %dma_wait3A_42 = tpu.memref_slice %arg6[%dma_wait3A_40, %dma_wait3A_41] : memref<512x64xf32, #tpu.memory_space<vmem>> -> memref<128x64xf32, #tpu.memory_space<vmem>>
    %dma_wait3A_43 = arith.constant 0 : i32
    %dma_wait3A_44 = tpu.memref_slice %arg5[%dma_wait3A, %dma_wait3A_43] : memref<4x128xi32, #tpu.memory_space<vmem>> -> memref<1x128xi32, #tpu.memory_space<vmem>>
    %dma_wait3A_45 = tpu.memref_squeeze %dma_wait3A_44 : memref<1x128xi32, #tpu.memory_space<vmem>> -> memref<128xi32, #tpu.memory_space<vmem>>
    %dma_wait3A_46 = arith.constant 0 : i32
    %dma_wait3A_47 = arith.constant 0 : i32
    %dma_wait3A_48 = tpu.memref_slice %arg3[%dma_wait3A_46, %dma_wait3A_47] : memref<100000x64xf32, #tpu.memory_space<hbm>> -> memref<100000x64xf32, #tpu.memory_space<hbm>>
    tpu.wait_indirect_dma semaphore(%arg7 : memref<!tpu.dma_semaphore, #tpu.memory_space<semaphore_mem>>) src(%dma_wait3A_48 : memref<100000x64xf32, #tpu.memory_space<hbm>>) dst(%dma_wait3A_42 : memref<128x64xf32, #tpu.memory_space<vmem>>)
    %dma_wait3A_49 = arith.constant 1 : i32
    %dma_wait3A_50 = arith.constant 128 : i32
    %dma_wait3A_51 = arith.constant 0 : i32
    %dma_wait3A_52 = tpu.memref_slice %arg6[%dma_wait3A_50, %dma_wait3A_51] : memref<512x64xf32, #tpu.memory_space<vmem>> -> memref<128x64xf32, #tpu.memory_space<vmem>>
    %dma_wait3A_53 = arith.constant 0 : i32
    %dma_wait3A_54 = tpu.memref_slice %arg5[%dma_wait3A_49, %dma_wait3A_53] : memref<4x128xi32, #tpu.memory_space<vmem>> -> memref<1x128xi32, #tpu.memory_space<vmem>>
    %dma_wait3A_55 = tpu.memref_squeeze %dma_wait3A_54 : memref<1x128xi32, #tpu.memory_space<vmem>> -> memref<128xi32, #tpu.memory_space<vmem>>
    %dma_wait3A_56 = arith.constant 0 : i32
    %dma_wait3A_57 = arith.constant 0 : i32
    %dma_wait3A_58 = tpu.memref_slice %arg3[%dma_wait3A_56, %dma_wait3A_57] : memref<100000x64xf32, #tpu.memory_space<hbm>> -> memref<100000x64xf32, #tpu.memory_space<hbm>>
    tpu.wait_indirect_dma semaphore(%arg7 : memref<!tpu.dma_semaphore, #tpu.memory_space<semaphore_mem>>) src(%dma_wait3A_58 : memref<100000x64xf32, #tpu.memory_space<hbm>>) dst(%dma_wait3A_52 : memref<128x64xf32, #tpu.memory_space<vmem>>)
    %dma_wait3A_59 = arith.constant 2 : i32
    %dma_wait3A_60 = arith.constant 256 : i32
    %dma_wait3A_61 = arith.constant 0 : i32
    %dma_wait3A_62 = tpu.memref_slice %arg6[%dma_wait3A_60, %dma_wait3A_61] : memref<512x64xf32, #tpu.memory_space<vmem>> -> memref<128x64xf32, #tpu.memory_space<vmem>>
    %dma_wait3A_63 = arith.constant 0 : i32
    %dma_wait3A_64 = tpu.memref_slice %arg5[%dma_wait3A_59, %dma_wait3A_63] : memref<4x128xi32, #tpu.memory_space<vmem>> -> memref<1x128xi32, #tpu.memory_space<vmem>>
    %dma_wait3A_65 = tpu.memref_squeeze %dma_wait3A_64 : memref<1x128xi32, #tpu.memory_space<vmem>> -> memref<128xi32, #tpu.memory_space<vmem>>
    %dma_wait3A_66 = arith.constant 0 : i32
    %dma_wait3A_67 = arith.constant 0 : i32
    %dma_wait3A_68 = tpu.memref_slice %arg3[%dma_wait3A_66, %dma_wait3A_67] : memref<100000x64xf32, #tpu.memory_space<hbm>> -> memref<100000x64xf32, #tpu.memory_space<hbm>>
    tpu.wait_indirect_dma semaphore(%arg7 : memref<!tpu.dma_semaphore, #tpu.memory_space<semaphore_mem>>) src(%dma_wait3A_68 : memref<100000x64xf32, #tpu.memory_space<hbm>>) dst(%dma_wait3A_62 : memref<128x64xf32, #tpu.memory_space<vmem>>)
    %dma_wait3A_69 = arith.constant 3 : i32
    %dma_wait3A_70 = arith.constant 384 : i32
    %dma_wait3A_71 = arith.constant 0 : i32
    %dma_wait3A_72 = tpu.memref_slice %arg6[%dma_wait3A_70, %dma_wait3A_71] : memref<512x64xf32, #tpu.memory_space<vmem>> -> memref<128x64xf32, #tpu.memory_space<vmem>>
    %dma_wait3A_73 = arith.constant 0 : i32
    %dma_wait3A_74 = tpu.memref_slice %arg5[%dma_wait3A_69, %dma_wait3A_73] : memref<4x128xi32, #tpu.memory_space<vmem>> -> memref<1x128xi32, #tpu.memory_space<vmem>>
    %dma_wait3A_75 = tpu.memref_squeeze %dma_wait3A_74 : memref<1x128xi32, #tpu.memory_space<vmem>> -> memref<128xi32, #tpu.memory_space<vmem>>
    %dma_wait3A_76 = arith.constant 0 : i32
    %dma_wait3A_77 = arith.constant 0 : i32
    %dma_wait3A_78 = tpu.memref_slice %arg3[%dma_wait3A_76, %dma_wait3A_77] : memref<100000x64xf32, #tpu.memory_space<hbm>> -> memref<100000x64xf32, #tpu.memory_space<hbm>>
    tpu.wait_indirect_dma semaphore(%arg7 : memref<!tpu.dma_semaphore, #tpu.memory_space<semaphore_mem>>) src(%dma_wait3A_78 : memref<100000x64xf32, #tpu.memory_space<hbm>>) dst(%dma_wait3A_72 : memref<128x64xf32, #tpu.memory_space<vmem>>)
    %mul3A_79 = arith.constant 512 : i32
    %mul3A_80 = arith.muli %add3A, %mul3A_79 : i32
    "tpu.region"() ({
      %run_scoped3A = tpu.sem_alloc : memref<!tpu.dma_semaphore, #tpu.memory_space<semaphore_mem>>
      %dma_start3A_81 = arith.constant 0 : i32
      %dma_start3A_82 = tpu.memref_slice %arg4[%mul3A_80, %dma_start3A_81] : memref<16384x64xf32, #tpu.memory_space<hbm>> -> memref<512x64xf32, #tpu.memory_space<hbm>>
      %dma_start3A_83 = arith.constant 0 : i32
      %dma_start3A_84 = tpu.memref_slice %arg4[%mul3A_80, %dma_start3A_83] : memref<16384x64xf32, #tpu.memory_space<hbm>> -> memref<512x64xf32, #tpu.memory_space<hbm>>
      tpu.enqueue_dma source(%arg6 : memref<512x64xf32, #tpu.memory_space<vmem>>) target(%dma_start3A_84 : memref<512x64xf32, #tpu.memory_space<hbm>>) target_semaphore(%run_scoped3A : memref<!tpu.dma_semaphore, #tpu.memory_space<semaphore_mem>>)
      %dma_wait3A_85 = arith.constant 0 : i32
      %dma_wait3A_86 = tpu.memref_slice %arg4[%mul3A_80, %dma_wait3A_85] : memref<16384x64xf32, #tpu.memory_space<hbm>> -> memref<512x64xf32, #tpu.memory_space<hbm>>
      %dma_wait3A_87 = arith.constant 0 : i32
      %dma_wait3A_88 = tpu.memref_slice %arg4[%mul3A_80, %dma_wait3A_87] : memref<16384x64xf32, #tpu.memory_space<hbm>> -> memref<512x64xf32, #tpu.memory_space<hbm>>
      tpu.wait_dma2 semaphore(%run_scoped3A : memref<!tpu.dma_semaphore, #tpu.memory_space<semaphore_mem>>) src(%arg6 : memref<512x64xf32, #tpu.memory_space<vmem>>) dst(%dma_wait3A_88 : memref<512x64xf32, #tpu.memory_space<hbm>>)
      tpu.yield
    }) : () -> ()
    return
  }
}

module attributes {stable_mosaic.version = 14 : i64} {
  func.func @_tc_body(%arg0: i32, %arg1: memref<4096x128xf32, #tpu.memory_space<vmem>>, %arg2: memref<4096x64xf32, #tpu.memory_space<vmem>>, %arg3: memref<128x512xf32, #tpu.memory_space<vmem>>, %arg4: memref<64x512xf32, #tpu.memory_space<vmem>>, %arg5: memref<1x512xf32, #tpu.memory_space<vmem>>, %arg6: memref<1x512xf32, #tpu.memory_space<vmem>>, %arg7: memref<1x512xf32, #tpu.memory_space<vmem>>, %arg8: memref<512x128xf32, #tpu.memory_space<vmem>>, %arg9: memref<1x128xf32, #tpu.memory_space<vmem>>, %arg10: memref<128x512xbf16, #tpu.memory_space<vmem>>, %arg11: memref<1x512xf32, #tpu.memory_space<vmem>>, %arg12: memref<1x512xf32, #tpu.memory_space<vmem>>, %arg13: memref<1x512xf32, #tpu.memory_space<vmem>>, %arg14: memref<512x128xbf16, #tpu.memory_space<vmem>>, %arg15: memref<1x128xf32, #tpu.memory_space<vmem>>, %arg16: memref<1024x128xbf16, #tpu.memory_space<vmem>>, %arg17: memref<128x1024xf32, #tpu.memory_space<vmem>>, %arg18: memref<4096x128xf32, #tpu.memory_space<vmem>>, %arg19: memref<1x1xf32, #tpu.memory_space<vmem>>) attributes {dimension_semantics = [#tpu.dimension_semantics<arbitrary>], iteration_bounds = array<i64: 4>, scalar_prefetch = 0 : i64, scratch_operands = 0 : i64, tpu.core_type = #tpu.core_type<tc>, window_params = [{transform_indices = @transform_0, window_bounds = array<i64: 4096, 128>}, {transform_indices = @transform_1, window_bounds = array<i64: 4096, 64>}, {pipeline_mode = #tpu.pipeline_mode<synchronous>, transform_indices = @transform_2, window_bounds = array<i64: 128, 512>}, {pipeline_mode = #tpu.pipeline_mode<synchronous>, transform_indices = @transform_3, window_bounds = array<i64: 64, 512>}, {pipeline_mode = #tpu.pipeline_mode<synchronous>, transform_indices = @transform_4, window_bounds = array<i64: 1, 512>}, {pipeline_mode = #tpu.pipeline_mode<synchronous>, transform_indices = @transform_5, window_bounds = array<i64: 1, 512>}, {pipeline_mode = #tpu.pipeline_mode<synchronous>, transform_indices = @transform_6, window_bounds = array<i64: 1, 512>}, {pipeline_mode = #tpu.pipeline_mode<synchronous>, transform_indices = @transform_7, window_bounds = array<i64: 512, 128>}, {pipeline_mode = #tpu.pipeline_mode<synchronous>, transform_indices = @transform_8, window_bounds = array<i64: 1, 128>}, {pipeline_mode = #tpu.pipeline_mode<synchronous>, transform_indices = @transform_9, window_bounds = array<i64: 128, 512>}, {pipeline_mode = #tpu.pipeline_mode<synchronous>, transform_indices = @transform_10, window_bounds = array<i64: 1, 512>}, {pipeline_mode = #tpu.pipeline_mode<synchronous>, transform_indices = @transform_11, window_bounds = array<i64: 1, 512>}, {pipeline_mode = #tpu.pipeline_mode<synchronous>, transform_indices = @transform_12, window_bounds = array<i64: 1, 512>}, {pipeline_mode = #tpu.pipeline_mode<synchronous>, transform_indices = @transform_13, window_bounds = array<i64: 512, 128>}, {pipeline_mode = #tpu.pipeline_mode<synchronous>, transform_indices = @transform_14, window_bounds = array<i64: 1, 128>}, {pipeline_mode = #tpu.pipeline_mode<synchronous>, transform_indices = @transform_15, window_bounds = array<i64: 1024, 128>}, {pipeline_mode = #tpu.pipeline_mode<synchronous>, transform_indices = @transform_16, window_bounds = array<i64: 128, 1024>}, {transform_indices = @transform_17, window_bounds = array<i64: 4096, 128>}, {pipeline_mode = #tpu.pipeline_mode<synchronous>, transform_indices = @transform_18, window_bounds = array<i64: 1, 1>}]} {
    %get3A = arith.constant 0 : index
    %get3A_0 = arith.constant 0 : index
    %get3A_1 = vector.load %arg1[%get3A, %get3A_0] : memref<4096x128xf32, #tpu.memory_space<vmem>>, vector<4096x128xf32>
    %get3A_2 = arith.constant 0 : index
    %get3A_3 = arith.constant 0 : index
    %get3A_4 = vector.load %arg2[%get3A_2, %get3A_3] : memref<4096x64xf32, #tpu.memory_space<vmem>>, vector<4096x64xf32>
    %concatenate3A = tpu.concatenate %get3A_1, %get3A_4 in 1 : vector<4096x128xf32>, vector<4096x64xf32> -> vector<4096x192xf32>
    %get3A_5 = arith.constant 0 : index
    %get3A_6 = arith.constant 0 : index
    %get3A_7 = vector.load %arg3[%get3A_5, %get3A_6] : memref<128x512xf32, #tpu.memory_space<vmem>>, vector<128x512xf32>
    %get3A_8 = arith.constant 0 : index
    %get3A_9 = arith.constant 0 : index
    %get3A_10 = vector.load %arg4[%get3A_8, %get3A_9] : memref<64x512xf32, #tpu.memory_space<vmem>>, vector<64x512xf32>
    %concatenate3A_11 = tpu.concatenate %get3A_7, %get3A_10 in 0 : vector<128x512xf32>, vector<64x512xf32> -> vector<192x512xf32>
    %dot_general3A = arith.constant dense<0.000000e+00> : vector<4096x512xf32>
    %dot_general3A_12 = tpu.matmul %concatenate3A, %concatenate3A_11, %dot_general3A {dimension_numbers = #tpu.dot_dimension_numbers<[1], [0], [0], [1], [0, 0, 1, 1], [], []>, transpose_lhs_hint = false} : vector<4096x192xf32>, vector<192x512xf32>, vector<4096x512xf32> -> vector<4096x512xf32>
    %get3A_13 = arith.constant 0 : index
    %get3A_14 = arith.constant 0 : index
    %get3A_15 = vector.load %arg5[%get3A_13, %get3A_14] : memref<1x512xf32, #tpu.memory_space<vmem>>, vector<1x512xf32>
    %add3A = vector.broadcast %get3A_15 : vector<1x512xf32> to vector<4096x512xf32>
    %add3A_16 = arith.addf %dot_general3A_12, %add3A : vector<4096x512xf32>
    %reduce_sum3A = arith.constant dense<0.000000e+00> : vector<4096xf32>
    %reduce_sum3A_17 = vector.multi_reduction <add>, %add3A_16, %reduce_sum3A [1] : vector<4096x512xf32> to vector<4096xf32>
    %broadcast_in_dim3A = vector.shape_cast %reduce_sum3A_17 : vector<4096xf32> to vector<4096x1xf32>
    %div3A = arith.constant 5.120000e+02 : f32
    %div3A_18 = vector.broadcast %div3A : f32 to vector<4096x1xf32>
    %div3A_19 = arith.divf %broadcast_in_dim3A, %div3A_18 : vector<4096x1xf32>
    %sub3A = vector.broadcast %div3A_19 : vector<4096x1xf32> to vector<4096x512xf32>
    %sub3A_20 = arith.subf %add3A_16, %sub3A : vector<4096x512xf32>
    %mul3A = arith.mulf %sub3A_20, %sub3A_20 : vector<4096x512xf32>
    %reduce_sum3A_21 = arith.constant dense<0.000000e+00> : vector<4096xf32>
    %reduce_sum3A_22 = vector.multi_reduction <add>, %mul3A, %reduce_sum3A_21 [1] : vector<4096x512xf32> to vector<4096xf32>
    %broadcast_in_dim3A_23 = vector.shape_cast %reduce_sum3A_22 : vector<4096xf32> to vector<4096x1xf32>
    %div3A_24 = arith.constant 5.120000e+02 : f32
    %div3A_25 = vector.broadcast %div3A_24 : f32 to vector<4096x1xf32>
    %div3A_26 = arith.divf %broadcast_in_dim3A_23, %div3A_25 : vector<4096x1xf32>
    %add3A_27 = arith.constant 9.99999974E-6 : f32
    %add3A_28 = vector.broadcast %add3A_27 : f32 to vector<4096x1xf32>
    %add3A_29 = arith.addf %div3A_26, %add3A_28 : vector<4096x1xf32>
    %sqrt3A = math.sqrt %add3A_29 : vector<4096x1xf32>
    %div3A_30 = vector.broadcast %sqrt3A : vector<4096x1xf32> to vector<4096x512xf32>
    %div3A_31 = arith.divf %sub3A_20, %div3A_30 : vector<4096x512xf32>
    %get3A_32 = arith.constant 0 : index
    %get3A_33 = arith.constant 0 : index
    %get3A_34 = vector.load %arg6[%get3A_32, %get3A_33] : memref<1x512xf32, #tpu.memory_space<vmem>>, vector<1x512xf32>
    %mul3A_35 = vector.broadcast %get3A_34 : vector<1x512xf32> to vector<4096x512xf32>
    %mul3A_36 = arith.mulf %div3A_31, %mul3A_35 : vector<4096x512xf32>
    %get3A_37 = arith.constant 0 : index
    %get3A_38 = arith.constant 0 : index
    %get3A_39 = vector.load %arg7[%get3A_37, %get3A_38] : memref<1x512xf32, #tpu.memory_space<vmem>>, vector<1x512xf32>
    %add3A_40 = vector.broadcast %get3A_39 : vector<1x512xf32> to vector<4096x512xf32>
    %add3A_41 = arith.addf %mul3A_36, %add3A_40 : vector<4096x512xf32>
    %add3A_42 = arith.addf %add3A_41, %add3A_16 : vector<4096x512xf32>
    %get3A_43 = arith.constant 0 : index
    %get3A_44 = arith.constant 0 : index
    %get3A_45 = vector.load %arg8[%get3A_43, %get3A_44] : memref<512x128xf32, #tpu.memory_space<vmem>>, vector<512x128xf32>
    %dot_general3A_46 = arith.constant dense<0.000000e+00> : vector<4096x128xf32>
    %dot_general3A_47 = tpu.matmul %add3A_42, %get3A_45, %dot_general3A_46 {dimension_numbers = #tpu.dot_dimension_numbers<[1], [0], [0], [1], [0, 0, 1, 1], [], []>, transpose_lhs_hint = false} : vector<4096x512xf32>, vector<512x128xf32>, vector<4096x128xf32> -> vector<4096x128xf32>
    %get3A_48 = arith.constant 0 : index
    %get3A_49 = arith.constant 0 : index
    %get3A_50 = vector.load %arg9[%get3A_48, %get3A_49] : memref<1x128xf32, #tpu.memory_space<vmem>>, vector<1x128xf32>
    %add3A_51 = vector.broadcast %get3A_50 : vector<1x128xf32> to vector<4096x128xf32>
    %add3A_52 = arith.addf %dot_general3A_47, %add3A_51 : vector<4096x128xf32>
    %get3A_53 = arith.constant 0 : index
    %get3A_54 = arith.constant 0 : index
    %get3A_55 = vector.load %arg17[%get3A_53, %get3A_54] : memref<128x1024xf32, #tpu.memory_space<vmem>>, vector<128x1024xf32>
    %mul3A_56 = arith.mulf %add3A_52, %add3A_52 : vector<4096x128xf32>
    %reduce_sum3A_57 = arith.constant dense<0.000000e+00> : vector<4096xf32>
    %reduce_sum3A_58 = vector.multi_reduction <add>, %mul3A_56, %reduce_sum3A_57 [1] : vector<4096x128xf32> to vector<4096xf32>
    %broadcast_in_dim3A_59 = vector.shape_cast %reduce_sum3A_58 : vector<4096xf32> to vector<4096x1xf32>
    %mul3A_60 = arith.mulf %get3A_55, %get3A_55 : vector<128x1024xf32>
    %reduce_sum3A_61 = arith.constant dense<0.000000e+00> : vector<1024xf32>
    %reduce_sum3A_62 = vector.multi_reduction <add>, %mul3A_60, %reduce_sum3A_61 [0] : vector<128x1024xf32> to vector<1024xf32>
    %broadcast_in_dim3A_63 = vector.shape_cast %reduce_sum3A_62 : vector<1024xf32> to vector<1x1024xf32>
    %dot_general3A_64 = arith.constant dense<0.000000e+00> : vector<4096x1024xf32>
    %dot_general3A_65 = tpu.matmul %add3A_52, %get3A_55, %dot_general3A_64 {dimension_numbers = #tpu.dot_dimension_numbers<[1], [0], [0], [1], [0, 0, 1, 1], [], []>, transpose_lhs_hint = false} : vector<4096x128xf32>, vector<128x1024xf32>, vector<4096x1024xf32> -> vector<4096x1024xf32>
    %mul3A_66 = arith.constant 2.000000e+00 : f32
    %mul3A_67 = vector.broadcast %mul3A_66 : f32 to vector<4096x1024xf32>
    %mul3A_68 = arith.mulf %mul3A_67, %dot_general3A_65 : vector<4096x1024xf32>
    %add3A_69 = vector.broadcast %broadcast_in_dim3A_59 : vector<4096x1xf32> to vector<4096x1024xf32>
    %add3A_70 = vector.broadcast %broadcast_in_dim3A_63 : vector<1x1024xf32> to vector<4096x1024xf32>
    %add3A_71 = arith.addf %add3A_69, %add3A_70 : vector<4096x1024xf32>
    %sub3A_72 = arith.subf %add3A_71, %mul3A_68 : vector<4096x1024xf32>
    %reduce_min3A = arith.constant dense<0x7F800000> : vector<4096xf32>
    %reduce_min3A_73 = vector.multi_reduction <minimumf>, %sub3A_72, %reduce_min3A [1] : vector<4096x1024xf32> to vector<4096xf32>
    %broadcast_in_dim3A_74 = vector.shape_cast %reduce_min3A_73 : vector<4096xf32> to vector<4096x1xf32>
    %iota3A = tpu.iota {dimensions = array<i32: 1>} : vector<4096x1024xi32>
    %eq3A = vector.broadcast %broadcast_in_dim3A_74 : vector<4096x1xf32> to vector<4096x1024xf32>
    %eq3A_75 = arith.cmpf oeq, %sub3A_72, %eq3A : vector<4096x1024xf32>
    %jit3A = arith.constant 1024 : i32
    %broadcast_in_dim3A_76 = vector.broadcast %jit3A : i32 to vector<4096x1024xi32>
    %select_n3A = arith.select %eq3A_75, %iota3A, %broadcast_in_dim3A_76 : vector<4096x1024xi1>, vector<4096x1024xi32>
    %reduce_min3A_77 = arith.constant dense<2147483647> : vector<4096xi32>
    %reduce_min3A_78 = vector.multi_reduction <minsi>, %select_n3A, %reduce_min3A_77 [1] : vector<4096x1024xi32> to vector<4096xi32>
    %broadcast_in_dim3A_79 = vector.shape_cast %reduce_min3A_78 : vector<4096xi32> to vector<4096x1xi32>
    %eq3A_80 = vector.broadcast %broadcast_in_dim3A_79 : vector<4096x1xi32> to vector<4096x1024xi32>
    %eq3A_81 = arith.cmpi eq, %iota3A, %eq3A_80 : vector<4096x1024xi32>
    %convert_element_type3A = arith.extui %eq3A_81 : vector<4096x1024xi1> to vector<4096x1024xi32>
    %convert_element_type3A_82 = arith.sitofp %convert_element_type3A : vector<4096x1024xi32> to vector<4096x1024xf32>
    %convert_element_type3A_83 = arith.truncf %convert_element_type3A_82 : vector<4096x1024xf32> to vector<4096x1024xbf16>
    %get3A_84 = arith.constant 0 : index
    %get3A_85 = arith.constant 0 : index
    %get3A_86 = vector.load %arg16[%get3A_84, %get3A_85] : memref<1024x128xbf16, #tpu.memory_space<vmem>>, vector<1024x128xbf16>
    %dot_general3A_87 = arith.constant dense<0.000000e+00> : vector<4096x128xf32>
    %dot_general3A_88 = tpu.matmul %convert_element_type3A_83, %get3A_86, %dot_general3A_87 {dimension_numbers = #tpu.dot_dimension_numbers<[1], [0], [0], [1], [0, 0, 1, 1], [], []>, transpose_lhs_hint = false} : vector<4096x1024xbf16>, vector<1024x128xbf16>, vector<4096x128xf32> -> vector<4096x128xf32>
    %sub3A_89 = arith.subf %dot_general3A_88, %add3A_52 : vector<4096x128xf32>
    %mul3A_90 = arith.mulf %sub3A_89, %sub3A_89 : vector<4096x128xf32>
    %reduce_sum3A_91 = vector.shape_cast %mul3A_90 : vector<4096x128xf32> to vector<1x4096x128xf32>
    %reduce_sum3A_92 = arith.constant dense<0.000000e+00> : vector<1xf32>
    %reduce_sum3A_93 = vector.multi_reduction <add>, %reduce_sum3A_91, %reduce_sum3A_92 [1, 2] : vector<1x4096x128xf32> to vector<1xf32>
    %reduce_sum3A_94 = vector.shape_cast %reduce_sum3A_93 : vector<1xf32> to vector<1x1x1xf32>
    %reduce_sum3A_95 = vector.extract %reduce_sum3A_94[0, 0, 0] : f32 from vector<1x1x1xf32>
    %mul3A_96 = arith.constant 5.24520885E-7 : f32
    %mul3A_97 = arith.mulf %reduce_sum3A_95, %mul3A_96 : f32
    %eq3A_98 = arith.constant 0 : i32
    %eq3A_99 = arith.cmpi eq, %arg0, %eq3A_98 : i32
    %convert_element_type3A_100 = arith.extui %eq3A_99 : i1 to i32
    %cond3A = arith.constant 0 : i32
    %cond3A_101 = arith.cmpi ne, %convert_element_type3A_100, %cond3A : i32
    scf.if %cond3A_101 {
      %broadcast_in_dim3A_165 = arith.constant 0.000000e+00 : f32
      %broadcast_in_dim3A_166 = vector.broadcast %broadcast_in_dim3A_165 : f32 to vector<1x1xf32>
      %swap3A_167 = arith.constant 0 : index
      %swap3A_168 = arith.constant 0 : index
      %swap3A_169 = vector.load %arg19[%swap3A_167, %swap3A_168] : memref<1x1xf32, #tpu.memory_space<vmem>>, vector<1x1xf32>
      tpu.vector_store %arg19[%swap3A_167, %swap3A_168], %broadcast_in_dim3A_166 {strides = array<i32>} : memref<1x1xf32, #tpu.memory_space<vmem>>, vector<1x1xf32>,
    } else {
    }
    %get3A_102 = arith.constant 0 : index
    %get3A_103 = arith.constant 0 : index
    %get3A_104 = vector.load %arg19[%get3A_102, %get3A_103] : memref<1x1xf32, #tpu.memory_space<vmem>>, vector<1x1xf32>
    %reshape3A = vector.broadcast %mul3A_97 : f32 to vector<1x1xf32>
    %add3A_105 = arith.addf %get3A_104, %reshape3A : vector<1x1xf32>
    %swap3A = arith.constant 0 : index
    %swap3A_106 = arith.constant 0 : index
    %swap3A_107 = vector.load %arg19[%swap3A, %swap3A_106] : memref<1x1xf32, #tpu.memory_space<vmem>>, vector<1x1xf32>
    tpu.vector_store %arg19[%swap3A, %swap3A_106], %add3A_105 {strides = array<i32>} : memref<1x1xf32, #tpu.memory_space<vmem>>, vector<1x1xf32>,
    %convert_element_type3A_108 = arith.truncf %dot_general3A_88 : vector<4096x128xf32> to vector<4096x128xbf16>
    %get3A_109 = arith.constant 0 : index
    %get3A_110 = arith.constant 0 : index
    %get3A_111 = vector.load %arg10[%get3A_109, %get3A_110] : memref<128x512xbf16, #tpu.memory_space<vmem>>, vector<128x512xbf16>
    %dot_general3A_112 = arith.constant dense<0.000000e+00> : vector<4096x512xf32>
    %dot_general3A_113 = tpu.matmul %convert_element_type3A_108, %get3A_111, %dot_general3A_112 {dimension_numbers = #tpu.dot_dimension_numbers<[1], [0], [0], [1], [0, 0, 1, 1], [], []>, transpose_lhs_hint = false} : vector<4096x128xbf16>, vector<128x512xbf16>, vector<4096x512xf32> -> vector<4096x512xf32>
    %get3A_114 = arith.constant 0 : index
    %get3A_115 = arith.constant 0 : index
    %get3A_116 = vector.load %arg11[%get3A_114, %get3A_115] : memref<1x512xf32, #tpu.memory_space<vmem>>, vector<1x512xf32>
    %add3A_117 = vector.broadcast %get3A_116 : vector<1x512xf32> to vector<4096x512xf32>
    %add3A_118 = arith.addf %dot_general3A_113, %add3A_117 : vector<4096x512xf32>
    %reduce_sum3A_119 = arith.constant dense<0.000000e+00> : vector<4096xf32>
    %reduce_sum3A_120 = vector.multi_reduction <add>, %add3A_118, %reduce_sum3A_119 [1] : vector<4096x512xf32> to vector<4096xf32>
    %broadcast_in_dim3A_121 = vector.shape_cast %reduce_sum3A_120 : vector<4096xf32> to vector<4096x1xf32>
    %div3A_122 = arith.constant 5.120000e+02 : f32
    %div3A_123 = vector.broadcast %div3A_122 : f32 to vector<4096x1xf32>
    %div3A_124 = arith.divf %broadcast_in_dim3A_121, %div3A_123 : vector<4096x1xf32>
    %sub3A_125 = vector.broadcast %div3A_124 : vector<4096x1xf32> to vector<4096x512xf32>
    %sub3A_126 = arith.subf %add3A_118, %sub3A_125 : vector<4096x512xf32>
    %mul3A_127 = arith.mulf %sub3A_126, %sub3A_126 : vector<4096x512xf32>
    %reduce_sum3A_128 = arith.constant dense<0.000000e+00> : vector<4096xf32>
    %reduce_sum3A_129 = vector.multi_reduction <add>, %mul3A_127, %reduce_sum3A_128 [1] : vector<4096x512xf32> to vector<4096xf32>
    %broadcast_in_dim3A_130 = vector.shape_cast %reduce_sum3A_129 : vector<4096xf32> to vector<4096x1xf32>
    %div3A_131 = arith.constant 5.120000e+02 : f32
    %div3A_132 = vector.broadcast %div3A_131 : f32 to vector<4096x1xf32>
    %div3A_133 = arith.divf %broadcast_in_dim3A_130, %div3A_132 : vector<4096x1xf32>
    %add3A_134 = arith.constant 9.99999974E-6 : f32
    %add3A_135 = vector.broadcast %add3A_134 : f32 to vector<4096x1xf32>
    %add3A_136 = arith.addf %div3A_133, %add3A_135 : vector<4096x1xf32>
    %sqrt3A_137 = math.sqrt %add3A_136 : vector<4096x1xf32>
    %div3A_138 = vector.broadcast %sqrt3A_137 : vector<4096x1xf32> to vector<4096x512xf32>
    %div3A_139 = arith.divf %sub3A_126, %div3A_138 : vector<4096x512xf32>
    %get3A_140 = arith.constant 0 : index
    %get3A_141 = arith.constant 0 : index
    %get3A_142 = vector.load %arg12[%get3A_140, %get3A_141] : memref<1x512xf32, #tpu.memory_space<vmem>>, vector<1x512xf32>
    %mul3A_143 = vector.broadcast %get3A_142 : vector<1x512xf32> to vector<4096x512xf32>
    %mul3A_144 = arith.mulf %div3A_139, %mul3A_143 : vector<4096x512xf32>
    %get3A_145 = arith.constant 0 : index
    %get3A_146 = arith.constant 0 : index
    %get3A_147 = vector.load %arg13[%get3A_145, %get3A_146] : memref<1x512xf32, #tpu.memory_space<vmem>>, vector<1x512xf32>
    %add3A_148 = vector.broadcast %get3A_147 : vector<1x512xf32> to vector<4096x512xf32>
    %add3A_149 = arith.addf %mul3A_144, %add3A_148 : vector<4096x512xf32>
    %add3A_150 = arith.addf %add3A_149, %add3A_118 : vector<4096x512xf32>
    %convert_element_type3A_151 = arith.truncf %add3A_150 : vector<4096x512xf32> to vector<4096x512xbf16>
    %get3A_152 = arith.constant 0 : index
    %get3A_153 = arith.constant 0 : index
    %get3A_154 = vector.load %arg14[%get3A_152, %get3A_153] : memref<512x128xbf16, #tpu.memory_space<vmem>>, vector<512x128xbf16>
    %dot_general3A_155 = arith.constant dense<0.000000e+00> : vector<4096x128xf32>
    %dot_general3A_156 = tpu.matmul %convert_element_type3A_151, %get3A_154, %dot_general3A_155 {dimension_numbers = #tpu.dot_dimension_numbers<[1], [0], [0], [1], [0, 0, 1, 1], [], []>, transpose_lhs_hint = false} : vector<4096x512xbf16>, vector<512x128xbf16>, vector<4096x128xf32> -> vector<4096x128xf32>
    %get3A_157 = arith.constant 0 : index
    %get3A_158 = arith.constant 0 : index
    %get3A_159 = vector.load %arg15[%get3A_157, %get3A_158] : memref<1x128xf32, #tpu.memory_space<vmem>>, vector<1x128xf32>
    %add3A_160 = vector.broadcast %get3A_159 : vector<1x128xf32> to vector<4096x128xf32>
    %add3A_161 = arith.addf %dot_general3A_156, %add3A_160 : vector<4096x128xf32>
    %swap3A_162 = arith.constant 0 : index
    %swap3A_163 = arith.constant 0 : index
    %swap3A_164 = vector.load %arg18[%swap3A_162, %swap3A_163] : memref<4096x128xf32, #tpu.memory_space<vmem>>, vector<4096x128xf32>
    tpu.vector_store %arg18[%swap3A_162, %swap3A_163], %add3A_161 {strides = array<i32>} : memref<4096x128xf32, #tpu.memory_space<vmem>>, vector<4096x128xf32>,
    return
  }
  func.func @transform_0(%arg0: i32) -> (i32, i32) {
    %c0_i32 = arith.constant 0 : i32
    %c0_i32_0 = arith.constant 0 : i32
    return %arg0, %c0_i32 : i32, i32
  }
  func.func @transform_1(%arg0: i32) -> (i32, i32) {
    %c0_i32 = arith.constant 0 : i32
    %c0_i32_0 = arith.constant 0 : i32
    return %arg0, %c0_i32 : i32, i32
  }
  func.func @transform_2(%arg0: i32) -> (i32, i32) {
    %c0_i32 = arith.constant 0 : i32
    %c0_i32_0 = arith.constant 0 : i32
    %c0_i32_1 = arith.constant 0 : i32
    return %c0_i32, %c0_i32_0 : i32, i32
  }
  func.func @transform_3(%arg0: i32) -> (i32, i32) {
    %c0_i32 = arith.constant 0 : i32
    %c0_i32_0 = arith.constant 0 : i32
    %c0_i32_1 = arith.constant 0 : i32
    return %c0_i32, %c0_i32_0 : i32, i32
  }
  func.func @transform_4(%arg0: i32) -> (i32, i32) {
    %c0_i32 = arith.constant 0 : i32
    %c0_i32_0 = arith.constant 0 : i32
    %c0_i32_1 = arith.constant 0 : i32
    return %c0_i32, %c0_i32_0 : i32, i32
  }
  func.func @transform_5(%arg0: i32) -> (i32, i32) {
    %c0_i32 = arith.constant 0 : i32
    %c0_i32_0 = arith.constant 0 : i32
    %c0_i32_1 = arith.constant 0 : i32
    return %c0_i32, %c0_i32_0 : i32, i32
  }
  func.func @transform_6(%arg0: i32) -> (i32, i32) {
    %c0_i32 = arith.constant 0 : i32
    %c0_i32_0 = arith.constant 0 : i32
    %c0_i32_1 = arith.constant 0 : i32
    return %c0_i32, %c0_i32_0 : i32, i32
  }
  func.func @transform_7(%arg0: i32) -> (i32, i32) {
    %c0_i32 = arith.constant 0 : i32
    %c0_i32_0 = arith.constant 0 : i32
    %c0_i32_1 = arith.constant 0 : i32
    return %c0_i32, %c0_i32_0 : i32, i32
  }
  func.func @transform_8(%arg0: i32) -> (i32, i32) {
    %c0_i32 = arith.constant 0 : i32
    %c0_i32_0 = arith.constant 0 : i32
    %c0_i32_1 = arith.constant 0 : i32
    return %c0_i32, %c0_i32_0 : i32, i32
  }
  func.func @transform_9(%arg0: i32) -> (i32, i32) {
    %c0_i32 = arith.constant 0 : i32
    %c0_i32_0 = arith.constant 0 : i32
    %c0_i32_1 = arith.constant 0 : i32
    return %c0_i32, %c0_i32_0 : i32, i32
  }
  func.func @transform_10(%arg0: i32) -> (i32, i32) {
    %c0_i32 = arith.constant 0 : i32
    %c0_i32_0 = arith.constant 0 : i32
    %c0_i32_1 = arith.constant 0 : i32
    return %c0_i32, %c0_i32_0 : i32, i32
  }
  func.func @transform_11(%arg0: i32) -> (i32, i32) {
    %c0_i32 = arith.constant 0 : i32
    %c0_i32_0 = arith.constant 0 : i32
    %c0_i32_1 = arith.constant 0 : i32
    return %c0_i32, %c0_i32_0 : i32, i32
  }
  func.func @transform_12(%arg0: i32) -> (i32, i32) {
    %c0_i32 = arith.constant 0 : i32
    %c0_i32_0 = arith.constant 0 : i32
    %c0_i32_1 = arith.constant 0 : i32
    return %c0_i32, %c0_i32_0 : i32, i32
  }
  func.func @transform_13(%arg0: i32) -> (i32, i32) {
    %c0_i32 = arith.constant 0 : i32
    %c0_i32_0 = arith.constant 0 : i32
    %c0_i32_1 = arith.constant 0 : i32
    return %c0_i32, %c0_i32_0 : i32, i32
  }
  func.func @transform_14(%arg0: i32) -> (i32, i32) {
    %c0_i32 = arith.constant 0 : i32
    %c0_i32_0 = arith.constant 0 : i32
    %c0_i32_1 = arith.constant 0 : i32
    return %c0_i32, %c0_i32_0 : i32, i32
  }
  func.func @transform_15(%arg0: i32) -> (i32, i32) {
    %c0_i32 = arith.constant 0 : i32
    %c0_i32_0 = arith.constant 0 : i32
    %c0_i32_1 = arith.constant 0 : i32
    return %c0_i32, %c0_i32_0 : i32, i32
  }
  func.func @transform_16(%arg0: i32) -> (i32, i32) {
    %c0_i32 = arith.constant 0 : i32
    %c0_i32_0 = arith.constant 0 : i32
    %c0_i32_1 = arith.constant 0 : i32
    return %c0_i32, %c0_i32_0 : i32, i32
  }
  func.func @transform_17(%arg0: i32) -> (i32, i32) {
    %c0_i32 = arith.constant 0 : i32
    %c0_i32_0 = arith.constant 0 : i32
    return %arg0, %c0_i32 : i32, i32
  }
  func.func @transform_18(%arg0: i32) -> (i32, i32) {
    %c0_i32 = arith.constant 0 : i32
    %c0_i32_0 = arith.constant 0 : i32
    %c0_i32_1 = arith.constant 0 : i32
    return %c0_i32, %c0_i32_0 : i32, i32
  }
}

</mosaic_0001>

<sc_bundles>
// kernel: kernel.4.cloned.1.call-start
scs
__scs_entry_jumppad:
0x0: {  	(pc) =	sbr.rel $0x88, $3  }
0x1: {  	(tag) =	ssettag $0x0;
	lr =	simm.s32 $0x1  }
0x2: {  	[smem:$0x3F91] =	sst lr;
	_ =	strace $0xD0000000  }
0x3: {  	_ = 	snop  }
0x4: {  	_ = 	snop  }
0x5: {  	_ = 	snop  }
0x6: {  	_ = 	snop  }
0x7: {  	_ = 	snop  }
__scs_overlays_trampoline_lowered:
0x8: {  	[smem:$0x3FA0] =	sst s0  }
0x9: {  	[smem:$0x3FA1] =	sst s1  }
0xa: {  	[smem:$0x3FA2] =	sst s2  }
0xb: {  	[smem:$0x3FA3] =	sst s3  }
0xc: {  	[smem:$0x3FA4] =	sst s4  }
0xd: {  	[smem:$0x3FA5] =	sst s5  }
0xe: {  	[smem:$0x3FA6] =	sst s6  }
0xf: {  	[smem:$0x3FA7] =	sst s7  }
0x10: {  	[smem:$0x3FA8] =	sst s8  }
0x11: {  	[smem:$0x3FA9] =	sst s9;
	s0 =	simm.s32 @!p0 $0x0  }
0x12: {  	s1 =	sld [smem:$0x3F8F];
	s0 =	simm.s32 @p0 $0x1  }
0x13: {  	[smem:$0x3FAA] =	sst s0;
	s0 =	simm.s32 @!p1 $0x0  }
0x14: {  	s2 =	sld [smem:$0x3F8E];
	s0 =	simm.s32 @p1 $0x1  }
0x15: {  	[smem:$0x3FAB] =	sst s0;
	s0 =	simm.s32 @!p2 $0x0  }
0x16: {  	s3 =	sld [smem:$0x3FDB];
	s0 =	simm.s32 @p2 $0x1  }
0x17: {  	s4 =	simm.s32 $0x1BF5;
	[smem:$0x3FAD] =	sst s0  }
0x18: {  	s0 =	sld [smem:$0x3F90];
	_ =	swait.ge [sflag:s4], $0x0  }
0x19: {  	s7 =	sld [smem:$0x3F91]  }
0x1a: {  	s8 =	sadd.s32 $0xFFFFE003, lr  }
0x1b: {  	s9 =	sadd.s32 $0xFFFFFEF7, lr;
	s5 =	simm.s32 $0xFFFFFFFF;
	p2 =	slt.u32 s8, $0xFFFFF086  }
0x1c: {  	p1 =	slt.u32 s9, $0xF7A;
	s5 =	simm.s32 @!p2 $0x0  }
0x1d: {  	s5 =	simm.s32 @p1 $0x1;
	p0 =	seq.s32 s7, s2  }
0x1e: {  	s7 =	smul.u32 @!p0 $0xF7A, s2;
	p2 =	seq.s32 @!p0 s5, $0x0  }
0x1f: {  	s9 =	smul.u32 $0xF7A, s1;
	s8 =	simm.s32 @!p0 $0x1BF5;
	p2 =	por !p2, p0  }
0x20: {  	[sflag:s8] =	ssyncset.s32 @!p0 $0xFFFFF086;
	s6 =	sadd.s32 @!p0 s3, s7;
	s7 =	simm.s32 @!p0 $0x108  }
0x21: {  	s3 =	sadd.s32 s3, s9;
	s6 =	sadd.s32 @!p0 $0x88, s6;
	s7 =	simm.s32 @p2 $0x1082  }
0x22: {  	[simem:s7], [sflag:s8] =	dma.local @!p0 [hbm:s6], $0xF7A  }
0x23: {  	s9 =	sor.u32 $0xD0000000, s2;
	s6 =	simm.s32 $0x108;
	_ =	swait.ge @!p0 [sflag:s8], $0x0  }
0x24: {  	s3 =	sadd.s32 $0x88, s3;
	s6 =	simm.s32 @!p1 $0x1082;
	[sflag:s4] =	ssyncset.s32 $0xFFFFF086  }
0x25: {  	[simem:s6], [sflag:s4] =	dma.local [hbm:s3], $0xF7A  }
0x26: {  	[smem:$0x3F91] =	sst s1;
	(tag) =	ssettag s2;
	_ =	strace s9  }
0x27: {  	s1 =	sld [smem:$0x3FA1]  }
0x28: {  	s2 =	sld [smem:$0x3FA2]  }
0x29: {  	s4 =	sld [smem:$0x3FA4]  }
0x2a: {  	p0 =	seq.s32 s5, $0x0;
	s5 =	sld [smem:$0x3FA5]  }
0x2b: {  	s6 =	sld [smem:$0x3FA6]  }
0x2c: {  	s7 =	sld [smem:$0x3FA7]  }
0x2d: {  	s3 =	simm.s32 $0x108;
	s8 =	sld [smem:$0x3FA8]  }
0x2e: {  	s3 =	simm.s32 @!p0 $0x1082;
	s9 =	sld [smem:$0x3FA9]  }
0x2f: {  	lr =	sadd.s32 s0, s3;
	s0 =	sld [smem:$0x3FA0]  }
0x30: {  	s3 =	sld [smem:$0x3FA3]  }
0x31: {  	[smem:$0x3FAC] =	sst s10  }
0x32: {  	s10 =	sld [smem:$0x3FAA];
	_ =	sdelay $0x3  }
0x33: {  	p0 =	seq.s32 s10, $0x1;
	s10 =	sld [smem:$0x3FAC];
	_ =	sdelay $0x3  }
0x34: {  	[smem:$0x3FAC] =	sst s10  }
0x35: {  	s10 =	sld [smem:$0x3FAB];
	_ =	sdelay $0x3  }
0x36: {  	p1 =	seq.s32 s10, $0x1;
	s10 =	sld [smem:$0x3FAC];
	_ =	sdelay $0x3  }
0x37: {  	[smem:$0x3FAC] =	sst s10  }
0x38: {  	s10 =	sld [smem:$0x3FAD]  }
0x39: {  	_ = 	snop;
	(pc) =	sbr.ind lr, $3  }
0x3a: {  	_ = 	snop  }
0x3b: {  	_ = 	snop  }
0x3c: {  	p2 =	seq.s32 s10, $0x1;
	s10 =	sld [smem:$0x3FAC]  }
0x3d: {  	_ =	shalt  }
0x3e: {  	_ =	shalt  }
0x3f: {  	_ =	shalt  }
0x40: {  	_ =	shalt  }
0x41: {  	_ =	shalt  }
0x42: {  	_ =	shalt  }
0x43: {  	_ =	shalt  }
0x44: {  	_ =	shalt  }
0x45: {  	_ =	shalt  }
0x46: {  	_ =	shalt  }
0x47: {  	_ =	shalt  }
0x48: {  	_ =	shalt  }
0x49: {  	_ =	shalt  }
0x4a: {  	_ =	shalt  }
0x4b: {  	_ =	shalt  }
0x4c: {  	_ =	shalt  }
0x4d: {  	_ =	shalt  }
0x4e: {  	_ =	shalt  }
0x4f: {  	_ =	shalt  }
0x50: {  	_ =	shalt  }
0x51: {  	_ =	shalt  }
0x52: {  	_ =	shalt  }
0x53: {  	_ =	shalt  }
0x54: {  	_ =	shalt  }
0x55: {  	_ =	shalt  }
0x56: {  	_ =	shalt  }
0x57: {  	_ =	shalt  }
0x58: {  	_ =	shalt  }
0x59: {  	_ =	shalt  }
0x5a: {  	_ =	shalt  }
0x5b: {  	_ =	shalt  }
0x5c: {  	_ =	shalt  }
0x5d: {  	_ =	shalt  }
0x5e: {  	_ =	shalt  }
0x5f: {  	_ =	shalt  }
0x60: {  	_ =	shalt  }
0x61: {  	_ =	shalt  }
0x62: {  	_ =	shalt  }
0x63: {  	_ =	shalt  }
0x64: {  	_ =	shalt  }
0x65: {  	_ =	shalt  }
0x66: {  	_ =	shalt  }
0x67: {  	_ =	shalt  }
0x68: {  	_ =	shalt  }
0x69: {  	_ =	shalt  }
0x6a: {  	_ =	shalt  }
0x6b: {  	_ =	shalt  }
0x6c: {  	_ =	shalt  }
0x6d: {  	_ =	shalt  }
0x6e: {  	_ =	shalt  }
0x6f: {  	_ =	shalt  }
0x70: {  	_ =	shalt  }
0x71: {  	_ =	shalt  }
0x72: {  	_ =	shalt  }
0x73: {  	_ =	shalt  }
0x74: {  	_ =	shalt  }
0x75: {  	_ =	shalt  }
0x76: {  	_ =	shalt  }
0x77: {  	_ =	shalt  }
0x78: {  	_ =	shalt  }
0x79: {  	_ =	shalt  }
0x7a: {  	_ =	shalt  }
0x7b: {  	_ =	shalt  }
0x7c: {  	_ =	shalt  }
0x7d: {  	_ =	shalt  }
0x7e: {  	_ =	shalt  }
0x7f: {  	_ =	shalt  }
0x80: {  	_ =	shalt  }
0x81: {  	_ =	shalt  }
0x82: {  	_ =	shalt  }
0x83: {  	_ =	shalt  }
0x84: {  	_ =	shalt  }
0x85: {  	_ =	shalt  }
0x86: {  	_ =	shalt  }
0x87: {  	_ =	shalt  }
.Lfunc_end0:
.L_simem_size_0:
called_computation_lowered:
.L_overlay_start_0:
0x88: {  	s2 =	sld [smem:$0x3FD9]  }
0x89: {  	s3 =	sld [smem:$0x3FFE];
	_ =	sdelay $0x1  }
0x8a: {  	s1 =	srdreg.scid  }
0x8b: {  	s0 =	sand.u32 $0x1, s1  }
0x8c: {  	s14 =	sshll.u32 s0, $0xA;
	s2 =	sadd.s32 s3, s2  }
0x8d: {  	s2 =	sadd.s32 s2, s14  }
0x8e: {  	[smem:$0x3FB8] =	sst s2  }
0x8f: {  	_ = 	snop  }
0x90: {  	s2 =	sld [smem:$0x3FD0];
	_ =	sdelay $0x2  }
0x91: {  	s4 =	simm.s32 $0xA;
	s5 =	simm.s32 $0x10;
	s15 =	sld [smem:$0x3FC8]  }
0x92: {  	[smem:s5], [sflag:s4] =	dma.local [hbm:s2], $0x1  }
0x93: {  	_ =	swait.eq [sflag:s4], $0x1  }
0x94: {  	[sflag:s4] =	ssyncset.done $0x0  }
0x95: {  	[sflag:s4] =	ssyncadd.s32 $0xFFFFFFFF  }
0x96: {  	s16 =	sld [smem:$0x10];
	(tm) =	ssettm $0x1  }
0x97: {  	s17 =	sld [smem:$0x3FFB];
	_ =	sdelay $0x3  }
0x98: {  	_ =	strace s17  }
0x99: {  	s4 =	sld [smem:$0x3FFC];
	_ =	sdelay $0x3  }
0x9a: {  	_ =	strace s4  }
0x9b: {  	s4 =	sld [smem:$0x3FFD];
	_ =	sdelay $0x3  }
0x9c: {  	_ =	strace s4  }
0x9d: {  	_ =	strace $0x8FFFFFFF  }
0x9e: {  	s18 =	sld [smem:$0x3FDB];
	_ =	sdelay $0x1  }
0x9f: {  	s19 =	simm.s32 $_scs_section_size  }
0xa0: {  	s6 =	simm.s32 $_size__tile_overlayer_lowered;
	s7 =	simm.s32 $_tile_overlayer_lowered  }
0xa1: {  	s22 =	simm.s32 $0x1BFF;
	s21 =	sshll.u32 s7, $0x1;
	s4 =	sadd.s32 s19, s18  }
0xa2: {  	s8 =	simm.s32 $0x0;
	s20 =	sshll.u32 s6, $0x1;
	s6 =	sadd.s32 s21, s4  }
0xa3: {  	[timem:s8], [sflag:s22] =	dma.local [hbm:s6], s20  }
0xa4: {  	_ =	swait.ge [sflag:s22], s20  }
0xa5: {  	s5 =	ssub.s32 $0x0, s20;
	[sflag:s22] =	ssyncset.done $0x0  }
0xa6: {  	[sflag:s22] =	ssyncadd.s32 s5;
	_ =	sdelay $0x1  }
0xa7: {  	s23 =	simm.s32 $0x1B8B  }
0xa8: {  	_ =	swait.ge [sflag:s23], $0x1  }
0xa9: {  	[sflag:s23] =	ssyncset.done $0x0  }
0xaa: {  	s25 =	simm.s32 $0x1B8E;
	s24 =	sld [smem:$0x3FFE];
	[sflag:s23] =	ssyncadd.s32 $0xFFFFFFFF  }
0xab: {  	s26 =	simm.s32 $execute0_lowered;
	[smem:$0x3FD2] =	sst s25  }
0xac: {  	s6 =	sshll.u32 s26, $0x1;
	_ =	strace $0x80000046;
	[dreg:$0x1] =	wrdreg $0xFFFFFFFF  }
0xad: {  	s28 =	simm.s32 $_size_execute0_lowered;
	s4 =	sadd.s32 s4, s6;
	[dreg:$0x0] =	wrdreg $0x0  }
0xae: {  	s6 =	sshll.u32 s28, $0x1;
	[dreg:$0x2] =	wrdreg s4  }
0xaf: {  	[dreg:$0x3] =	wrdreg s6  }
0xb0: {  	[dreg:$0x4] =	wrdreg $0xC0  }
0xb1: {  	_ =	task [dreg:s8], $0x5FFFF  }
0xb2: {  	[dreg:$0x1] =	wrdreg $0xFFFFFFFF  }
0xb3: {  	[dreg:$0x0] =	wrdreg $0x60  }
0xb4: {  	[dreg:$0x2] =	wrdreg s15  }
0xb5: {  	[dreg:$0x3] =	wrdreg s24  }
0xb6: {  	[dreg:$0x4] =	wrdreg s16  }
0xb7: {  	[dreg:$0x5] =	wrdreg $0x9  }
0xb8: {  	_ =	task.clear_ibuf [dreg:s8], $0x6FFFF;
	_ =	strace $0x90000046  }
0xb9: {  	s29 =	simm.s32 $0x9;
	_ =	strace $0x80000048  }
0xba: {  	_ =	swait.ge [sflag:s29], $0x1  }
0xbb: {  	[sflag:s29] =	ssyncadd.s32 $0xFFFFFFFF  }
0xbc: {  	_ =	strace $0x90000048  }
0xbd: {  	_ =	sfence  }
0xbe: {  	s30 =	sld [smem:$0x0];
	_ =	sdelay $0x2  }
0xbf: {  	s31 =	sshll.u32 s1, $0xD;
	s1 =	sshrl.u32 s1, $0x2  }
0xc0: {  	s3 =	sand.u32 $0x4000, s31;
	s1 =	sadd.s32 s1, s30  }
0xc1: {  	s0 =	sor.u32 s3, s0;
	s1 =	sshll.u32 s1, $0x11  }
0xc2: {  	s0 =	sor.u32 s1, s0  }
0xc3: {  	s0 =	sadd.s32 $0x8F2B, s0  }
0xc4: {  	[sflag:s0] =	ssyncadd.remote.s32 $0x1  }
0xc5: {  	_ =	sfence.sel $0xFFFF  }
0xc6: {  	[dreg:$0x0] =	wrdreg $0xFFFFFFFF;
	(pc) =	sbr.abs _section_cstart, $3  }
0xc7: {  	[dreg:$0x1] =	wrdreg $0xFFFFFFFF  }
0xc8: {  	_ =	task.clear_ibuf [dreg:s8], $0x2FFFF;
	_ =	strace $0x9FFFFFFF  }
0xc9: {  	(tm) =	ssettm $0x7FFFFFFF  }
tec
execute0_lowered:
.L_overlay_start_1:
0x0: {  	(tag) =	ssettag $0x1  }
0x1: {  	s3 =	rddreg [dreg:$0x0];
	s1 =	srdreg.scid  }
0x2: {  	s5 =	rddreg [dreg:$0x1];
	s0 =	stileid.u32;
	s14 =	sand.u32 $0x1, s1  }
0x3: {  	s15 =	rddreg [dreg:$0x2];
	s4 =	sshll.u32 s0, $0xA;
	s6 =	sshll.u32 s14, $0x9  }
0x4: {  	s2 =	simm.s32 $0x0;
	s1 =	rddreg [dreg:$0x3];
	s16 =	sor.u32 s6, s4  }
0x5: {  	[smem:$0x7FF] =	sst s2;
	s4 =	sshrl.u32 s16, $0x3  }
0x6: {  	_ =	strace $0x80000047;
	s4 =	sadd.s32 s3, s4;
	s3 =	simm.s32 $0x2  }
0x7: {  	[tilespmem:s2], [sflag:$0x2] =	stream.linear.gather [hbm4b:s4+s2], $0x200, $0x38;
	[tilespmem:$0x8200] =	vst v63  }
0x8: {  	_ =	swait.ge [sflag:s3], $0x200  }
0x9: {  	s7 =	simm.s32 $0x200;
	[sflag:s3] =	ssyncset.done $0x0  }
0xa: {  	s5 =	sadd.s32 $0x189200, s5;
	s6 =	simm.s32 $0x80;
	[sflag:s3] =	ssyncadd.s32 $0xFFFFFE00  }
0xb: {  	[tilespmem:s7], [sflag:$0x1] =	stream.indirect.gather [hbm4b:s5+s6], $0x40, s2, s6, $0xb8;
	[tilespmem:$0x8200] =	vst v63  }
0xc: {  	s8 =	simm.s32 $0x2200  }
0xd: {  	[tilespmem:s8], [sflag:$0x1] =	stream.indirect.gather [hbm4b:s5+s6], $0x40, s6, s6, $0xb8;
	[tilespmem:$0x8200] =	vst v63  }
0xe: {  	s9 =	simm.s32 $0x100;
	s10 =	simm.s32 $0x4200  }
0xf: {  	[tilespmem:s10], [sflag:$0x1] =	stream.indirect.gather [hbm4b:s5+s6], $0x40, s9, s6, $0xb8;
	[tilespmem:$0x8200] =	vst v63  }
0x10: {  	s11 =	simm.s32 $0x180;
	s12 =	simm.s32 $0x6200;
	s13 =	simm.s32 $0x1  }
0x11: {  	[tilespmem:s12], [sflag:$0x1] =	stream.indirect.gather [hbm4b:s5+s6], $0x40, s11, s6, $0xb8;
	[tilespmem:$0x8200] =	vst v63  }
0x12: {  	_ =	swait.ge [sflag:s13], $0x2000  }
0x13: {  	[sflag:s13] =	ssyncset.done $0x0  }
0x14: {  	[sflag:s13] =	ssyncadd.s32 $0xFFFFE000  }
0x15: {  	_ =	swait.ge [sflag:s13], $0x2000  }
0x16: {  	[sflag:s13] =	ssyncset.done $0x0  }
0x17: {  	s14 =	ssub.s32 $0x2, s14;
	[sflag:s13] =	ssyncadd.s32 $0xFFFFE000  }
0x18: {  	s17 =	sshrl.u32 s14, $0x1;
	_ =	swait.ge [sflag:s13], $0x2000  }
0x19: {  	s17 =	ssub.s32 s14, s17;
	[sflag:s13] =	ssyncset.done $0x0  }
0x1a: {  	s31 =	smax.u32 s17, $0x1;
	[sflag:s13] =	ssyncadd.s32 $0xFFFFE000  }
0x1b: {  	p0 =	sne.s32 s31, $0x1;
	_ =	swait.ge [sflag:s13], $0x2000  }
.Ltmp0:
0x1c: {  	s30 =	sshll.u32 s16, $0x3;
	[sflag:s13] =	ssyncset.done $0x0;
	(pc) =	sbr.rel @!p0 .LBB2_2-.Ltmp0, $4  }
0x1d: {  	s14 =	sadd.s32 s15, s30;
	[sflag:s13] =	ssyncadd.s32 $0xFFFFE000  }
0x1e: {  	[hbm4b:s14+s2] =	stream.linear.scatter [tilespmem:s7], [sflag:$0x2], $0x8000, $0x38;
	[tilespmem:$0x8200] =	vst v63  }
0x1f: {  	_ =	swait.ge [sflag:s3], $0x8000  }
0x20: {  	s15 =	sadd.s32 $0xFFFFFFFF, s31;
	[sflag:s3] =	ssyncset.done $0x0  }
.LBB2_1:
0x21: {  	p0 =	sne.s32 s15, $0x1;
	s15 =	sadd.s32 $0xFFFFFFFF, s15;
	[sflag:s3] =	ssyncadd.s32 $0xFFFF8000  }
0x22: {  	[tilespmem:s2], [sflag:$0x2] =	stream.linear.gather [hbm4b:s4+s2], $0x200, $0x38;
	[tilespmem:$0x8200] =	vst v63  }
0x23: {  	_ =	swait.ge [sflag:s3], $0x200  }
0x24: {  	[sflag:s3] =	ssyncset.done $0x0  }
0x25: {  	[sflag:s3] =	ssyncadd.s32 $0xFFFFFE00  }
0x26: {  	[tilespmem:s7], [sflag:$0x1] =	stream.indirect.gather [hbm4b:s5+s6], $0x40, s2, s6, $0xb8;
	[tilespmem:$0x8200] =	vst v63  }
0x27: {  	_ = 	snop  }
0x28: {  	[tilespmem:s8], [sflag:$0x1] =	stream.indirect.gather [hbm4b:s5+s6], $0x40, s6, s6, $0xb8;
	[tilespmem:$0x8200] =	vst v63  }
0x29: {  	_ = 	snop  }
0x2a: {  	[tilespmem:s10], [sflag:$0x1] =	stream.indirect.gather [hbm4b:s5+s6], $0x40, s9, s6, $0xb8;
	[tilespmem:$0x8200] =	vst v63  }
0x2b: {  	_ = 	snop  }
0x2c: {  	[tilespmem:s12], [sflag:$0x1] =	stream.indirect.gather [hbm4b:s5+s6], $0x40, s11, s6, $0xb8;
	[tilespmem:$0x8200] =	vst v63  }
0x2d: {  	_ =	swait.ge [sflag:s13], $0x2000  }
0x2e: {  	[sflag:s13] =	ssyncset.done $0x0  }
0x2f: {  	[sflag:s13] =	ssyncadd.s32 $0xFFFFE000  }
0x30: {  	_ =	swait.ge [sflag:s13], $0x2000  }
0x31: {  	[sflag:s13] =	ssyncset.done $0x0  }
0x32: {  	[sflag:s13] =	ssyncadd.s32 $0xFFFFE000  }
0x33: {  	_ =	swait.ge [sflag:s13], $0x2000  }
0x34: {  	[sflag:s13] =	ssyncset.done $0x0  }
0x35: {  	[sflag:s13] =	ssyncadd.s32 $0xFFFFE000  }
0x36: {  	_ =	swait.ge [sflag:s13], $0x2000  }
.Ltmp1:
0x37: {  	[sflag:s13] =	ssyncset.done $0x0;
	(pc) =	sbr.rel @p0 .LBB2_1-.Ltmp1, $4  }
0x38: {  	[sflag:s13] =	ssyncadd.s32 $0xFFFFE000  }
0x39: {  	[hbm4b:s14+s2] =	stream.linear.scatter [tilespmem:s7], [sflag:$0x2], $0x8000, $0x38;
	[tilespmem:$0x8200] =	vst v63  }
0x3a: {  	_ =	swait.ge [sflag:s3], $0x8000  }
0x3b: {  	[sflag:s3] =	ssyncset.done $0x0  }
.LBB2_2:
0x3c: {  	[sflag:s3] =	ssyncadd.s32 $0xFFFF8000  }
0x3d: {  	_ =	sfence.sel $0x180000  }
0x3e: {  	[bflag:$0x0] =	sbarrier.arrive $0xFFFF  }
0x3f: {  	p0 =	sne.s32 s0, $0x0;
	_ =	strace $0x90000047  }
0x40: {  	s0 =	sadd.s32 @!p0 $0x100000, s1;
	[bflag:$0x2] =	sbarrier.arrive $0xFFFF  }
0x41: {  	[sflag:s0] =	ssyncadd.tile.s32 @!p0 $0x1;
	_ =	shalt  }
.Lfunc_end2:
_tile_overlayer_lowered:
.L_overlay_start_2:
0x42: {  	(tag) =	ssettag $0x2  }
0x43: {  	s0 =	rddreg [dreg:$0x0];
	s2 =	stileid.u32  }
0x44: {  	s1 =	rddreg [dreg:$0x1];
	p0 =	sne.s32 s2, $0x0  }
0x45: {  	s3 =	rddreg [dreg:$0x2];
	[bflag:$0x3] =	sbarrier.arrive $0xFFFF;
	s2 =	simm.s32 @!p0 $0x1C02  }
0x46: {  	[timem:s3], [sflag:s2] =	dma.local @!p0 [hbm:s0], s1  }
0x47: {  	s0 =	simm.s32 @!p0 $0x2  }
0x48: {  	_ =	swait.ge @!p0 [sflag:s0], s1  }
0x49: {  	s1 =	ssub.s32 @!p0 $0x0, s1;
	[sflag:s0] =	ssyncset.done @!p0 $0x0  }
0x4a: {  	[sflag:s0] =	ssyncadd.s32 @!p0 s1  }
0x4b: {  	[bflag:$0x3] =	sbarrier.arrive $0xFFFF  }
0x4c: {  	_ =	shalt  }

</sc_bundles>
